<compile_context>
chip_gen: v7x
topology: tpu7x:2x2x1
jax: 0.10.2.dev20260603
libtpu: 0.0.44.dev20260713+nightly
codegen_flags: <defaults>
</compile_context>

<pallas_src>
import functools

import jax
import jax.numpy as jnp
from jax.experimental import pallas as pl
from jax.experimental.pallas import tpu as pltpu
from jax.experimental.pallas import tpu_sc as plsc

_B = 4096
_D = 1024
_NCPAD = 128
_TEMP = 0.1
_K = 5
_KG = 2
_BI = 256
_GRID = _B // _BI
_LANES = 128
_NTILES = _B // _LANES


_NC = 2
_NS = 16
_NW = _NC * _NS
_LPW = _B // _NW
_CPW = 4
_NVEC = _B // 16


def _cnt_sc_body(lab_hbm, cnt_hbm, lab_v, row_v):
    cid = jax.lax.axis_index("c")
    sid = jax.lax.axis_index("s")
    wid = sid * _NC + cid
    pltpu.sync_copy(lab_hbm, lab_v)
    c0 = wid * _CPW

    def body(k, accs):
        v = lab_v[pl.ds(k * 16, 16)]
        return tuple(accs[t] + jnp.where(v == c0 + t, 1, 0)
                     for t in range(_CPW))

    accs = jax.lax.fori_loop(
        0, _NVEC, body,
        tuple(jnp.zeros((16,), jnp.int32) for _ in range(_CPW)))
    for t in range(_CPW):
        row_v[pl.ds(t * 16, 16)] = accs[t].astype(jnp.float32)
    pltpu.sync_copy(row_v, cnt_hbm.at[pl.ds(wid * _CPW * 16, _CPW * 16)])


def _sc_counts(labels_i32):
    mesh = plsc.VectorSubcoreMesh(core_axis_name="c", subcore_axis_name="s")
    return pl.kernel(
        _cnt_sc_body,
        out_type=jax.ShapeDtypeStruct((_NW * _CPW * 16,), jnp.float32),
        mesh=mesh,
        scratch_types=[
            pltpu.VMEM((_B,), jnp.int32),
            pltpu.VMEM((_CPW * 16,), jnp.float32),
        ],
    )(labels_i32)


def _prep_body(y_ref, labcol_ref, ysc_ref, v_ref):
    yy = y_ref[...]
    n2 = jnp.sum(yy * yy, axis=1, keepdims=True)
    inv = (1.0 / _TEMP) / jnp.maximum(jnp.sqrt(n2), 1e-12)
    ysc_ref[...] = (yy * inv).astype(jnp.bfloat16)
    cls2 = jax.lax.broadcasted_iota(jnp.int32, (_B, _NCPAD), 1)
    v_ref[...] = (labcol_ref[...] == cls2).astype(jnp.bfloat16)



def _main_body(x_ref, ysc_ref, cnt_ref, lab_ref, labrow_ref, v_ref, out_ref,
               acc_ref, w_ref):
    i = pl.program_id(0)

    @pl.when(i == 0)
    def _init():
        acc_ref[...] = jnp.zeros((1, 1), jnp.float32)
        counts = jnp.sum(cnt_ref[...], axis=1, keepdims=True)
        invc = 1.0 / jnp.maximum(counts, 1.0)
        cls3 = jax.lax.broadcasted_iota(jnp.int32, (_NCPAD, _B), 0)
        w_ref[...] = jnp.sum(jnp.where(lab_ref[...] == cls3, invc, 0.0),
                             axis=0, keepdims=True)

    xb = x_ref[...]
    xn2 = jnp.sum(xb * xb, axis=1, keepdims=True)
    rowinv = 1.0 / jnp.maximum(jnp.sqrt(xn2), 1e-12)
    xs = (xb * rowinv).astype(jnp.bfloat16)
    sim = jax.lax.dot_general(
        xs, ysc_ref[...], (((1,), (1,)), ((), ())),
        preferred_element_type=jnp.float32)

    pos = labrow_ref[...] == lab_ref[...]
    wn = jnp.where(pos, 0.0, sim) * w_ref[...]

    esim = jnp.exp(sim)
    esim_bf = esim.astype(jnp.bfloat16)
    cls_sums = jax.lax.dot_general(
        esim_bf, v_ref[...], (((1,), (0,)), ((), ())),
        preferred_element_type=jnp.float32)
    ucls = jax.lax.broadcasted_iota(jnp.int32, (_BI, _NCPAD), 1)
    uown = (labrow_ref[...] == ucls).astype(jnp.float32)
    pos_sum = jnp.sum(cls_sums * uown, axis=1, keepdims=True)

    neg_inf = jnp.float32(-jnp.inf)
    r = [jnp.full((_BI, _LANES), neg_inf, jnp.float32) for _ in range(_KG)]
    for t in range(_NTILES):
        v = wn[:, t * _LANES:(t + 1) * _LANES]
        for j in range(_KG):
            hi = jnp.maximum(r[j], v)
            v = jnp.minimum(r[j], v)
            r[j] = hi
    planes = r
    thr = None
    for it in range(_K):
        mx = planes[0]
        for j in range(1, _KG):
            mx = jnp.maximum(mx, planes[j])
        mm = jnp.max(mx, axis=1, keepdims=True)
        if it == _K - 1:
            thr = mm
        else:
            planes = [jnp.where(p == mm, neg_inf, p) for p in planes]

    neg_sum = jnp.sum(jnp.where(wn >= thr, esim, 0.0), axis=1, keepdims=True)

    loss = -jnp.log(pos_sum / (pos_sum + neg_sum + 1e-8))
    acc_ref[...] += jnp.sum(loss, axis=0, keepdims=True)

    @pl.when(i == _GRID - 1)
    def _fin():
        out_ref[...] = acc_ref[...] / (jnp.float32(_B) + 1e-8)


def kernel(x, y, labels):
    lab2d = labels.reshape(1, _B).astype(jnp.int32)
    labcol = labels.reshape(_B, 1).astype(jnp.int32)

    counts = _sc_counts(labels.astype(jnp.int32)).reshape(_NCPAD, 16)
    ysc, v = pl.pallas_call(
        _prep_body,
        grid=(1,),
        in_specs=[
            pl.BlockSpec((_B, _D), lambda i: (0, 0)),
            pl.BlockSpec((_B, 1), lambda i: (0, 0)),
        ],
        out_specs=[
            pl.BlockSpec((_B, _D), lambda i: (0, 0)),
            pl.BlockSpec((_B, _NCPAD), lambda i: (0, 0)),
        ],
        out_shape=[
            jax.ShapeDtypeStruct((_B, _D), jnp.bfloat16),
            jax.ShapeDtypeStruct((_B, _NCPAD), jnp.bfloat16),
        ],
    )(y, labcol)

    out = pl.pallas_call(
        _main_body,
        grid=(_GRID,),
        in_specs=[
            pl.BlockSpec((_BI, _D), lambda i: (i, 0)),
            pl.BlockSpec((_B, _D), lambda i: (0, 0)),
            pl.BlockSpec((_NCPAD, 16), lambda i: (0, 0)),
            pl.BlockSpec((1, _B), lambda i: (0, 0)),
            pl.BlockSpec((_BI, 1), lambda i: (i, 0)),
            pl.BlockSpec((_B, _NCPAD), lambda i: (0, 0)),
        ],
        out_specs=pl.BlockSpec((1, 1), lambda i: (0, 0)),
        out_shape=jax.ShapeDtypeStruct((1, 1), jnp.float32),
        scratch_shapes=[pltpu.VMEM((1, 1), jnp.float32),
                        pltpu.VMEM((1, _B), jnp.float32)],
    )(x, ysc, counts, lab2d, labcol, v)
    return out.reshape(())

# --- scband reference (transcript-rebuilt; emitter-appended) ---
"""Pipeline reference for scband-supervised-contrastive-loss-40192303956120 (READ-ONLY COPY).

The authoritative reference and input builder live on the scoring server;
editing this copy changes nothing except your own understanding.
"""

import jax, jax.numpy as jnp
import numpy as np

NUM_CLASSES = 100
TEMPERATURE = 0.1
K = 5


def _l2norm(v):
    n = jnp.sqrt(jnp.sum(v * v, axis=1, keepdims=True))
    return v / jnp.maximum(n, 1e-12)


def setup_inputs(seed: int = 0) -> dict:
    key = jax.random.key(seed)
    k1, k2, k3 = jax.random.split(key, 3)
    x = jax.random.normal(k1, (4096, 1024), dtype=jnp.float32)
    y = jax.random.normal(k2, (4096, 1024), dtype=jnp.float32)
    labels = jax.random.randint(k3, (4096,), 0, NUM_CLASSES)
    return {"x": x, "y": y, "labels": labels}


def reference(x, y, labels):
    batch_size = x.shape[0]
    x = _l2norm(x)
    y = _l2norm(y)
    sim_matrix = jnp.matmul(x, y.T) / TEMPERATURE
    pos_mask = (labels[None, :] == labels[:, None]).astype(jnp.float32)
    neg_mask = 1.0 - pos_mask
    sim_matrix_neg = sim_matrix * neg_mask
    label_counts = jnp.bincount(labels, length=NUM_CLASSES)
    class_weights = (1.0 / label_counts[labels].astype(jnp.float32))[None, :]
    sim_matrix_neg = sim_matrix_neg * class_weights
    k = min(K, batch_size - 1)
    _, hard_indices = jax.lax.top_k(sim_matrix_neg, k)
    rows = jnp.arange(batch_size)[:, None]
    hard_neg_mask = jnp.zeros_like(neg_mask).at[rows, hard_indices].set(1.0)
    sim_matrix = sim_matrix - jnp.max(sim_matrix, axis=1, keepdims=True)
    exp_sim = jnp.exp(sim_matrix)
    pos_sim = exp_sim * pos_mask
    neg_sim = exp_sim * hard_neg_mask
    pos_sum = pos_sim.sum(axis=1)
    neg_sum = neg_sim.sum(axis=1)
    loss = -jnp.log(pos_sum / (pos_sum + neg_sum + 1e-08))
    valid_mask = (pos_mask.sum(axis=1) > 0).astype(jnp.float32)
    loss = (loss * valid_mask).sum() / (valid_mask.sum() + 1e-08)
    return loss

if __name__ == "__main__":
    import jax
    _d = setup_inputs()
    print(jax.jit(kernel)(*tuple(_d.values())))

</pallas_src>

<mosaic_0001>
#map = affine_map<(d0, d1) -> (0)>
module attributes {stable_mosaic.version = 14 : i64} {
  func.func @_cnt_sc_body(%arg0: i32, %arg1: i32, %arg2: memref<4096xi32, #tpu.memory_space<hbm>>, %arg3: memref<2048xf32, #tpu.memory_space<hbm>>, %arg4: memref<4096xi32, #tpu.memory_space<vmem>>, %arg5: memref<64xf32, #tpu.memory_space<vmem>>) attributes {dimension_semantics = [#tpu.dimension_semantics<core_parallel>, #tpu.dimension_semantics<subcore_parallel>], iteration_bounds = array<i64: 2, 16>, scalar_prefetch = 0 : i64, scratch_operands = 2 : i64, tpu.core_type = #tpu.core_type<sc_vector_subcore>, window_params = [{transform_indices = #map}, {transform_indices = #map}]} {
    %mul3A = arith.constant 2 : i32
    %mul3A_0 = arith.muli %arg1, %mul3A : i32
    %add3A = arith.addi %mul3A_0, %arg0 : i32
    "tpu.region"() ({
      %run_scoped3A = tpu.sem_alloc : memref<!tpu.dma_semaphore, #tpu.memory_space<semaphore_mem>>
      tpu.enqueue_dma source(%arg2 : memref<4096xi32, #tpu.memory_space<hbm>>) target(%arg4 : memref<4096xi32, #tpu.memory_space<vmem>>) target_semaphore(%run_scoped3A : memref<!tpu.dma_semaphore, #tpu.memory_space<semaphore_mem>>)
      tpu.wait_dma2 semaphore(%run_scoped3A : memref<!tpu.dma_semaphore, #tpu.memory_space<semaphore_mem>>) src(%arg2 : memref<4096xi32, #tpu.memory_space<hbm>>) dst(%arg4 : memref<4096xi32, #tpu.memory_space<vmem>>)
      tpu.yield
    }) : () -> ()
    %mul3A_1 = arith.constant 4 : i32
    %mul3A_2 = arith.muli %add3A, %mul3A_1 : i32
    %broadcast_in_dim3A = arith.constant 0 : i32
    %broadcast_in_dim3A_3 = vector.broadcast %broadcast_in_dim3A : i32 to vector<16xi32>
    %broadcast_in_dim3A_4 = arith.constant 0 : i32
    %broadcast_in_dim3A_5 = vector.broadcast %broadcast_in_dim3A_4 : i32 to vector<16xi32>
    %broadcast_in_dim3A_6 = arith.constant 0 : i32
    %broadcast_in_dim3A_7 = vector.broadcast %broadcast_in_dim3A_6 : i32 to vector<16xi32>
    %broadcast_in_dim3A_8 = arith.constant 0 : i32
    %broadcast_in_dim3A_9 = vector.broadcast %broadcast_in_dim3A_8 : i32 to vector<16xi32>
    %scan3A = arith.constant 0 : i32
    %scan3A_10 = arith.constant 256 : i32
    %scan3A_11 = arith.addi %scan3A, %scan3A_10 : i32
    %scan3A_12 = arith.constant 1 : i32
    %scan3A_13:4 = scf.for %scan3A_37 = %scan3A to %scan3A_11 step %scan3A_12 iter_args(%scan3A_38 = %broadcast_in_dim3A_3, %scan3A_39 = %broadcast_in_dim3A_5, %scan3A_40 = %broadcast_in_dim3A_7, %scan3A_41 = %broadcast_in_dim3A_9) -> (vector<16xi32>, vector<16xi32>, vector<16xi32>, vector<16xi32>)  : i32 {
      %mul3A_42 = arith.constant 16 : i32
      %mul3A_43 = arith.muli %scan3A_37, %mul3A_42 : i32
      %get3A = arith.index_cast %mul3A_43 : i32 to index
      %get3A_44 = tpu.vector_load %arg4[%get3A] {strides = array<i32>} : memref<4096xi32, #tpu.memory_space<vmem>>, vector<16xi32>,
      %get3A_45 = vector.shape_cast %get3A_44 : vector<16xi32> to vector<16xi32>
      %add3A_46 = arith.constant 0 : i32
      %add3A_47 = arith.addi %mul3A_2, %add3A_46 : i32
      %eq3A = vector.broadcast %add3A_47 : i32 to vector<16xi32>
      %eq3A_48 = arith.cmpi eq, %get3A_45, %eq3A : vector<16xi32>
      %jit3A = arith.constant 1 : i32
      %jit3A_49 = arith.constant 0 : i32
      %broadcast_in_dim3A_50 = vector.broadcast %jit3A : i32 to vector<16xi32>
      %broadcast_in_dim3A_51 = vector.broadcast %jit3A_49 : i32 to vector<16xi32>
      %select_n3A = arith.select %eq3A_48, %broadcast_in_dim3A_50, %broadcast_in_dim3A_51 : vector<16xi1>, vector<16xi32>
      %add3A_52 = arith.addi %scan3A_38, %select_n3A : vector<16xi32>
      %add3A_53 = arith.constant 1 : i32
      %add3A_54 = arith.addi %mul3A_2, %add3A_53 : i32
      %eq3A_55 = vector.broadcast %add3A_54 : i32 to vector<16xi32>
      %eq3A_56 = arith.cmpi eq, %get3A_45, %eq3A_55 : vector<16xi32>
      %jit3A_57 = arith.constant 1 : i32
      %jit3A_58 = arith.constant 0 : i32
      %broadcast_in_dim3A_59 = vector.broadcast %jit3A_57 : i32 to vector<16xi32>
      %broadcast_in_dim3A_60 = vector.broadcast %jit3A_58 : i32 to vector<16xi32>
      %select_n3A_61 = arith.select %eq3A_56, %broadcast_in_dim3A_59, %broadcast_in_dim3A_60 : vector<16xi1>, vector<16xi32>
      %add3A_62 = arith.addi %scan3A_39, %select_n3A_61 : vector<16xi32>
      %add3A_63 = arith.constant 2 : i32
      %add3A_64 = arith.addi %mul3A_2, %add3A_63 : i32
      %eq3A_65 = vector.broadcast %add3A_64 : i32 to vector<16xi32>
      %eq3A_66 = arith.cmpi eq, %get3A_45, %eq3A_65 : vector<16xi32>
      %jit3A_67 = arith.constant 1 : i32
      %jit3A_68 = arith.constant 0 : i32
      %broadcast_in_dim3A_69 = vector.broadcast %jit3A_67 : i32 to vector<16xi32>
      %broadcast_in_dim3A_70 = vector.broadcast %jit3A_68 : i32 to vector<16xi32>
      %select_n3A_71 = arith.select %eq3A_66, %broadcast_in_dim3A_69, %broadcast_in_dim3A_70 : vector<16xi1>, vector<16xi32>
      %add3A_72 = arith.addi %scan3A_40, %select_n3A_71 : vector<16xi32>
      %add3A_73 = arith.constant 3 : i32
      %add3A_74 = arith.addi %mul3A_2, %add3A_73 : i32
      %eq3A_75 = vector.broadcast %add3A_74 : i32 to vector<16xi32>
      %eq3A_76 = arith.cmpi eq, %get3A_45, %eq3A_75 : vector<16xi32>
      %jit3A_77 = arith.constant 1 : i32
      %jit3A_78 = arith.constant 0 : i32
      %broadcast_in_dim3A_79 = vector.broadcast %jit3A_77 : i32 to vector<16xi32>
      %broadcast_in_dim3A_80 = vector.broadcast %jit3A_78 : i32 to vector<16xi32>
      %select_n3A_81 = arith.select %eq3A_76, %broadcast_in_dim3A_79, %broadcast_in_dim3A_80 : vector<16xi1>, vector<16xi32>
      %add3A_82 = arith.addi %scan3A_41, %select_n3A_81 : vector<16xi32>
      scf.yield %add3A_52, %add3A_62, %add3A_72, %add3A_82 : vector<16xi32>, vector<16xi32>, vector<16xi32>, vector<16xi32>
    }
    %scan3A_14 = arith.constant 256 : i32
    %convert_element_type3A = arith.sitofp %scan3A_13#0 : vector<16xi32> to vector<16xf32>
    %swap3A = arith.constant 0 : index
    %swap3A_15 = tpu.vector_load %arg5[%swap3A] {strides = array<i32>} : memref<64xf32, #tpu.memory_space<vmem>>, vector<16xf32>,
    %swap3A_16 = vector.shape_cast %swap3A_15 : vector<16xf32> to vector<16xf32>
    %swap3A_17 = vector.shape_cast %convert_element_type3A : vector<16xf32> to vector<16xf32>
    tpu.vector_store %arg5[%swap3A], %swap3A_17 {strides = array<i32>} : memref<64xf32, #tpu.memory_space<vmem>>, vector<16xf32>,
    %convert_element_type3A_18 = arith.sitofp %scan3A_13#1 : vector<16xi32> to vector<16xf32>
    %swap3A_19 = arith.constant 16 : index
    %swap3A_20 = tpu.vector_load %arg5[%swap3A_19] {strides = array<i32>} : memref<64xf32, #tpu.memory_space<vmem>>, vector<16xf32>,
    %swap3A_21 = vector.shape_cast %swap3A_20 : vector<16xf32> to vector<16xf32>
    %swap3A_22 = vector.shape_cast %convert_element_type3A_18 : vector<16xf32> to vector<16xf32>
    tpu.vector_store %arg5[%swap3A_19], %swap3A_22 {strides = array<i32>} : memref<64xf32, #tpu.memory_space<vmem>>, vector<16xf32>,
    %convert_element_type3A_23 = arith.sitofp %scan3A_13#2 : vector<16xi32> to vector<16xf32>
    %swap3A_24 = arith.constant 32 : index
    %swap3A_25 = tpu.vector_load %arg5[%swap3A_24] {strides = array<i32>} : memref<64xf32, #tpu.memory_space<vmem>>, vector<16xf32>,
    %swap3A_26 = vector.shape_cast %swap3A_25 : vector<16xf32> to vector<16xf32>
    %swap3A_27 = vector.shape_cast %convert_element_type3A_23 : vector<16xf32> to vector<16xf32>
    tpu.vector_store %arg5[%swap3A_24], %swap3A_27 {strides = array<i32>} : memref<64xf32, #tpu.memory_space<vmem>>, vector<16xf32>,
    %convert_element_type3A_28 = arith.sitofp %scan3A_13#3 : vector<16xi32> to vector<16xf32>
    %swap3A_29 = arith.constant 48 : index
    %swap3A_30 = tpu.vector_load %arg5[%swap3A_29] {strides = array<i32>} : memref<64xf32, #tpu.memory_space<vmem>>, vector<16xf32>,
    %swap3A_31 = vector.shape_cast %swap3A_30 : vector<16xf32> to vector<16xf32>
    %swap3A_32 = vector.shape_cast %convert_element_type3A_28 : vector<16xf32> to vector<16xf32>
    tpu.vector_store %arg5[%swap3A_29], %swap3A_32 {strides = array<i32>} : memref<64xf32, #tpu.memory_space<vmem>>, vector<16xf32>,
    %mul3A_33 = arith.constant 4 : i32
    %mul3A_34 = arith.muli %add3A, %mul3A_33 : i32
    %mul3A_35 = arith.constant 16 : i32
    %mul3A_36 = arith.muli %mul3A_34, %mul3A_35 : i32
    "tpu.region"() ({
      %run_scoped3A = tpu.sem_alloc : memref<!tpu.dma_semaphore, #tpu.memory_space<semaphore_mem>>
      %dma_start3A = tpu.memref_slice %arg3[%mul3A_36] : memref<2048xf32, #tpu.memory_space<hbm>> -> memref<64xf32, #tpu.memory_space<hbm>>
      %dma_start3A_37 = tpu.memref_slice %arg3[%mul3A_36] : memref<2048xf32, #tpu.memory_space<hbm>> -> memref<64xf32, #tpu.memory_space<hbm>>
      tpu.enqueue_dma source(%arg5 : memref<64xf32, #tpu.memory_space<vmem>>) target(%dma_start3A_37 : memref<64xf32, #tpu.memory_space<hbm>>) target_semaphore(%run_scoped3A : memref<!tpu.dma_semaphore, #tpu.memory_space<semaphore_mem>>)
      %dma_wait3A = tpu.memref_slice %arg3[%mul3A_36] : memref<2048xf32, #tpu.memory_space<hbm>> -> memref<64xf32, #tpu.memory_space<hbm>>
      %dma_wait3A_38 = tpu.memref_slice %arg3[%mul3A_36] : memref<2048xf32, #tpu.memory_space<hbm>> -> memref<64xf32, #tpu.memory_space<hbm>>
      tpu.wait_dma2 semaphore(%run_scoped3A : memref<!tpu.dma_semaphore, #tpu.memory_space<semaphore_mem>>) src(%arg5 : memref<64xf32, #tpu.memory_space<vmem>>) dst(%dma_wait3A_38 : memref<64xf32, #tpu.memory_space<hbm>>)
      tpu.yield
    }) : () -> ()
    return
  }
}

module attributes {stable_mosaic.version = 14 : i64} {
  func.func @_main_body(%arg0: i32, %arg1: memref<256x1024xf32, #tpu.memory_space<vmem>>, %arg2: memref<4096x1024xbf16, #tpu.memory_space<vmem>>, %arg3: memref<128x16xf32, #tpu.memory_space<vmem>>, %arg4: memref<1x4096xi32, #tpu.memory_space<vmem>>, %arg5: memref<256x1xi32, #tpu.memory_space<vmem>>, %arg6: memref<4096x128xbf16, #tpu.memory_space<vmem>>, %arg7: memref<1x1xf32, #tpu.memory_space<vmem>>, %arg8: memref<1x1xf32, #tpu.memory_space<vmem>>, %arg9: memref<1x4096xf32, #tpu.memory_space<vmem>>) attributes {dimension_semantics = [#tpu.dimension_semantics<arbitrary>], iteration_bounds = array<i64: 16>, scalar_prefetch = 0 : i64, scratch_operands = 2 : i64, tpu.core_type = #tpu.core_type<tc>, window_params = [{transform_indices = @transform_0, window_bounds = array<i64: 256, 1024>}, {pipeline_mode = #tpu.pipeline_mode<synchronous>, transform_indices = @transform_1, window_bounds = array<i64: 4096, 1024>}, {pipeline_mode = #tpu.pipeline_mode<synchronous>, transform_indices = @transform_2, window_bounds = array<i64: 128, 16>}, {pipeline_mode = #tpu.pipeline_mode<synchronous>, transform_indices = @transform_3, window_bounds = array<i64: 1, 4096>}, {transform_indices = @transform_4, window_bounds = array<i64: 256, 1>}, {pipeline_mode = #tpu.pipeline_mode<synchronous>, transform_indices = @transform_5, window_bounds = array<i64: 4096, 128>}, {pipeline_mode = #tpu.pipeline_mode<synchronous>, transform_indices = @transform_6, window_bounds = array<i64: 1, 1>}]} {
    %eq3A = arith.constant 0 : i32
    %eq3A_0 = arith.cmpi eq, %arg0, %eq3A : i32
    %convert_element_type3A = arith.extui %eq3A_0 : i1 to i32
    %cond3A = arith.constant 0 : i32
    %cond3A_1 = arith.cmpi ne, %convert_element_type3A, %cond3A : i32
    scf.if %cond3A_1 {
      %broadcast_in_dim3A_264 = arith.constant 0.000000e+00 : f32
      %broadcast_in_dim3A_265 = vector.broadcast %broadcast_in_dim3A_264 : f32 to vector<1x1xf32>
      %swap3A_266 = arith.constant 0 : index
      %swap3A_267 = arith.constant 0 : index
      %swap3A_268 = vector.load %arg8[%swap3A_266, %swap3A_267] : memref<1x1xf32, #tpu.memory_space<vmem>>, vector<1x1xf32>
      tpu.vector_store %arg8[%swap3A_266, %swap3A_267], %broadcast_in_dim3A_265 {strides = array<i32>} : memref<1x1xf32, #tpu.memory_space<vmem>>, vector<1x1xf32>,
      %get3A_269 = arith.constant 0 : index
      %get3A_270 = arith.constant 0 : index
      %get3A_271 = vector.load %arg3[%get3A_269, %get3A_270] : memref<128x16xf32, #tpu.memory_space<vmem>>, vector<128x16xf32>
      %reduce_sum3A_272 = arith.constant dense<0.000000e+00> : vector<128xf32>
      %reduce_sum3A_273 = vector.multi_reduction <add>, %get3A_271, %reduce_sum3A_272 [1] : vector<128x16xf32> to vector<128xf32>
      %broadcast_in_dim3A_274 = vector.shape_cast %reduce_sum3A_273 : vector<128xf32> to vector<128x1xf32>
      %max3A_275 = arith.constant 1.000000e+00 : f32
      %max3A_276 = vector.broadcast %max3A_275 : f32 to vector<128x1xf32>
      %max3A_277 = arith.maximumf %broadcast_in_dim3A_274, %max3A_276 : vector<128x1xf32>
      %div3A_278 = arith.constant 1.000000e+00 : f32
      %div3A_279 = vector.broadcast %div3A_278 : f32 to vector<128x1xf32>
      %div3A_280 = arith.divf %div3A_279, %max3A_277 : vector<128x1xf32>
      %iota3A_281 = tpu.iota {dimensions = array<i32: 0>} : vector<128x4096xi32>
      %get3A_282 = arith.constant 0 : index
      %get3A_283 = arith.constant 0 : index
      %get3A_284 = vector.load %arg4[%get3A_282, %get3A_283] : memref<1x4096xi32, #tpu.memory_space<vmem>>, vector<1x4096xi32>
      %eq3A_285 = vector.broadcast %get3A_284 : vector<1x4096xi32> to vector<128x4096xi32>
      %eq3A_286 = arith.cmpi eq, %eq3A_285, %iota3A_281 : vector<128x4096xi32>
      %jit3A_287 = arith.constant 0.000000e+00 : f32
      %broadcast_in_dim3A_288 = vector.shape_cast %div3A_280 : vector<128x1xf32> to vector<128x1xf32>
      %broadcast_in_dim3A_289 = vector.broadcast %broadcast_in_dim3A_288 : vector<128x1xf32> to vector<128x4096xf32>
      %broadcast_in_dim3A_290 = vector.broadcast %jit3A_287 : f32 to vector<128x4096xf32>
      %select_n3A_291 = arith.select %eq3A_286, %broadcast_in_dim3A_289, %broadcast_in_dim3A_290 : vector<128x4096xi1>, vector<128x4096xf32>
      %reduce_sum3A_292 = arith.constant dense<0.000000e+00> : vector<4096xf32>
      %reduce_sum3A_293 = vector.multi_reduction <add>, %select_n3A_291, %reduce_sum3A_292 [0] : vector<128x4096xf32> to vector<4096xf32>
      %broadcast_in_dim3A_294 = vector.shape_cast %reduce_sum3A_293 : vector<4096xf32> to vector<1x4096xf32>
      %swap3A_295 = arith.constant 0 : index
      %swap3A_296 = arith.constant 0 : index
      %swap3A_297 = vector.load %arg9[%swap3A_295, %swap3A_296] : memref<1x4096xf32, #tpu.memory_space<vmem>>, vector<1x4096xf32>
      tpu.vector_store %arg9[%swap3A_295, %swap3A_296], %broadcast_in_dim3A_294 {strides = array<i32>} : memref<1x4096xf32, #tpu.memory_space<vmem>>, vector<1x4096xf32>,
    } else {
    }
    %get3A = arith.constant 0 : index
    %get3A_2 = arith.constant 0 : index
    %get3A_3 = vector.load %arg1[%get3A, %get3A_2] : memref<256x1024xf32, #tpu.memory_space<vmem>>, vector<256x1024xf32>
    %mul3A = arith.mulf %get3A_3, %get3A_3 : vector<256x1024xf32>
    %reduce_sum3A = arith.constant dense<0.000000e+00> : vector<256xf32>
    %reduce_sum3A_4 = vector.multi_reduction <add>, %mul3A, %reduce_sum3A [1] : vector<256x1024xf32> to vector<256xf32>
    %broadcast_in_dim3A = vector.shape_cast %reduce_sum3A_4 : vector<256xf32> to vector<256x1xf32>
    %sqrt3A = math.sqrt %broadcast_in_dim3A : vector<256x1xf32>
    %max3A = arith.constant 9.99999996E-13 : f32
    %max3A_5 = vector.broadcast %max3A : f32 to vector<256x1xf32>
    %max3A_6 = arith.maximumf %sqrt3A, %max3A_5 : vector<256x1xf32>
    %div3A = arith.constant 1.000000e+00 : f32
    %div3A_7 = vector.broadcast %div3A : f32 to vector<256x1xf32>
    %div3A_8 = arith.divf %div3A_7, %max3A_6 : vector<256x1xf32>
    %mul3A_9 = vector.broadcast %div3A_8 : vector<256x1xf32> to vector<256x1024xf32>
    %mul3A_10 = arith.mulf %get3A_3, %mul3A_9 : vector<256x1024xf32>
    %convert_element_type3A_11 = arith.truncf %mul3A_10 : vector<256x1024xf32> to vector<256x1024xbf16>
    %get3A_12 = arith.constant 0 : index
    %get3A_13 = arith.constant 0 : index
    %get3A_14 = vector.load %arg2[%get3A_12, %get3A_13] : memref<4096x1024xbf16, #tpu.memory_space<vmem>>, vector<4096x1024xbf16>
    %dot_general3A = arith.constant dense<0.000000e+00> : vector<256x4096xf32>
    %dot_general3A_15 = tpu.matmul %convert_element_type3A_11, %get3A_14, %dot_general3A {dimension_numbers = #tpu.dot_dimension_numbers<[1], [1], [0], [0], [0, 0, 1, 0], [], []>, transpose_lhs_hint = false} : vector<256x1024xbf16>, vector<4096x1024xbf16>, vector<256x4096xf32> -> vector<256x4096xf32>
    %get3A_16 = arith.constant 0 : index
    %get3A_17 = arith.constant 0 : index
    %get3A_18 = vector.load %arg5[%get3A_16, %get3A_17] : memref<256x1xi32, #tpu.memory_space<vmem>>, vector<256x1xi32>
    %get3A_19 = arith.constant 0 : index
    %get3A_20 = arith.constant 0 : index
    %get3A_21 = vector.load %arg4[%get3A_19, %get3A_20] : memref<1x4096xi32, #tpu.memory_space<vmem>>, vector<1x4096xi32>
    %eq3A_22 = vector.broadcast %get3A_18 : vector<256x1xi32> to vector<256x4096xi32>
    %eq3A_23 = vector.broadcast %get3A_21 : vector<1x4096xi32> to vector<256x4096xi32>
    %eq3A_24 = arith.cmpi eq, %eq3A_22, %eq3A_23 : vector<256x4096xi32>
    %jit3A = arith.constant 0.000000e+00 : f32
    %broadcast_in_dim3A_25 = vector.broadcast %jit3A : f32 to vector<256x4096xf32>
    %select_n3A = arith.select %eq3A_24, %broadcast_in_dim3A_25, %dot_general3A_15 : vector<256x4096xi1>, vector<256x4096xf32>
    %get3A_26 = arith.constant 0 : index
    %get3A_27 = arith.constant 0 : index
    %get3A_28 = vector.load %arg9[%get3A_26, %get3A_27] : memref<1x4096xf32, #tpu.memory_space<vmem>>, vector<1x4096xf32>
    %mul3A_29 = vector.broadcast %get3A_28 : vector<1x4096xf32> to vector<256x4096xf32>
    %mul3A_30 = arith.mulf %select_n3A, %mul3A_29 : vector<256x4096xf32>
    %exp3A = math.exp %dot_general3A_15 : vector<256x4096xf32>
    %convert_element_type3A_31 = arith.truncf %exp3A : vector<256x4096xf32> to vector<256x4096xbf16>
    %get3A_32 = arith.constant 0 : index
    %get3A_33 = arith.constant 0 : index
    %get3A_34 = vector.load %arg6[%get3A_32, %get3A_33] : memref<4096x128xbf16, #tpu.memory_space<vmem>>, vector<4096x128xbf16>
    %dot_general3A_35 = arith.constant dense<0.000000e+00> : vector<256x128xf32>
    %dot_general3A_36 = tpu.matmul %convert_element_type3A_31, %get3A_34, %dot_general3A_35 {dimension_numbers = #tpu.dot_dimension_numbers<[1], [0], [0], [1], [0, 0, 1, 1], [], []>, transpose_lhs_hint = false} : vector<256x4096xbf16>, vector<4096x128xbf16>, vector<256x128xf32> -> vector<256x128xf32>
    %iota3A = tpu.iota {dimensions = array<i32: 1>} : vector<256x128xi32>
    %get3A_37 = arith.constant 0 : index
    %get3A_38 = arith.constant 0 : index
    %get3A_39 = vector.load %arg5[%get3A_37, %get3A_38] : memref<256x1xi32, #tpu.memory_space<vmem>>, vector<256x1xi32>
    %eq3A_40 = vector.broadcast %get3A_39 : vector<256x1xi32> to vector<256x128xi32>
    %eq3A_41 = arith.cmpi eq, %eq3A_40, %iota3A : vector<256x128xi32>
    %convert_element_type3A_42 = arith.extui %eq3A_41 : vector<256x128xi1> to vector<256x128xi32>
    %convert_element_type3A_43 = arith.sitofp %convert_element_type3A_42 : vector<256x128xi32> to vector<256x128xf32>
    %mul3A_44 = arith.mulf %dot_general3A_36, %convert_element_type3A_43 : vector<256x128xf32>
    %reduce_sum3A_45 = arith.constant dense<0.000000e+00> : vector<256xf32>
    %reduce_sum3A_46 = vector.multi_reduction <add>, %mul3A_44, %reduce_sum3A_45 [1] : vector<256x128xf32> to vector<256xf32>
    %broadcast_in_dim3A_47 = vector.shape_cast %reduce_sum3A_46 : vector<256xf32> to vector<256x1xf32>
    %broadcast_in_dim3A_48 = arith.constant 0xFF800000 : f32
    %broadcast_in_dim3A_49 = vector.broadcast %broadcast_in_dim3A_48 : f32 to vector<256x128xf32>
    %broadcast_in_dim3A_50 = arith.constant 0xFF800000 : f32
    %broadcast_in_dim3A_51 = vector.broadcast %broadcast_in_dim3A_50 : f32 to vector<256x128xf32>
    %slice3A = vector.extract_strided_slice %mul3A_30 {offsets = [0, 0], sizes = [256, 128], strides = [1, 1]} : vector<256x4096xf32> to vector<256x128xf32>
    %max3A_52 = arith.maximumf %broadcast_in_dim3A_49, %slice3A : vector<256x128xf32>
    %min3A = arith.minimumf %broadcast_in_dim3A_49, %slice3A : vector<256x128xf32>
    %max3A_53 = arith.maximumf %broadcast_in_dim3A_51, %min3A : vector<256x128xf32>
    %slice3A_54 = vector.extract_strided_slice %mul3A_30 {offsets = [0, 128], sizes = [256, 128], strides = [1, 1]} : vector<256x4096xf32> to vector<256x128xf32>
    %max3A_55 = arith.maximumf %max3A_52, %slice3A_54 : vector<256x128xf32>
    %min3A_56 = arith.minimumf %max3A_52, %slice3A_54 : vector<256x128xf32>
    %max3A_57 = arith.maximumf %max3A_53, %min3A_56 : vector<256x128xf32>
    %slice3A_58 = vector.extract_strided_slice %mul3A_30 {offsets = [0, 256], sizes = [256, 128], strides = [1, 1]} : vector<256x4096xf32> to vector<256x128xf32>
    %max3A_59 = arith.maximumf %max3A_55, %slice3A_58 : vector<256x128xf32>
    %min3A_60 = arith.minimumf %max3A_55, %slice3A_58 : vector<256x128xf32>
    %max3A_61 = arith.maximumf %max3A_57, %min3A_60 : vector<256x128xf32>
    %slice3A_62 = vector.extract_strided_slice %mul3A_30 {offsets = [0, 384], sizes = [256, 128], strides = [1, 1]} : vector<256x4096xf32> to vector<256x128xf32>
    %max3A_63 = arith.maximumf %max3A_59, %slice3A_62 : vector<256x128xf32>
    %min3A_64 = arith.minimumf %max3A_59, %slice3A_62 : vector<256x128xf32>
    %max3A_65 = arith.maximumf %max3A_61, %min3A_64 : vector<256x128xf32>
    %slice3A_66 = vector.extract_strided_slice %mul3A_30 {offsets = [0, 512], sizes = [256, 128], strides = [1, 1]} : vector<256x4096xf32> to vector<256x128xf32>
    %max3A_67 = arith.maximumf %max3A_63, %slice3A_66 : vector<256x128xf32>
    %min3A_68 = arith.minimumf %max3A_63, %slice3A_66 : vector<256x128xf32>
    %max3A_69 = arith.maximumf %max3A_65, %min3A_68 : vector<256x128xf32>
    %slice3A_70 = vector.extract_strided_slice %mul3A_30 {offsets = [0, 640], sizes = [256, 128], strides = [1, 1]} : vector<256x4096xf32> to vector<256x128xf32>
    %max3A_71 = arith.maximumf %max3A_67, %slice3A_70 : vector<256x128xf32>
    %min3A_72 = arith.minimumf %max3A_67, %slice3A_70 : vector<256x128xf32>
    %max3A_73 = arith.maximumf %max3A_69, %min3A_72 : vector<256x128xf32>
    %slice3A_74 = vector.extract_strided_slice %mul3A_30 {offsets = [0, 768], sizes = [256, 128], strides = [1, 1]} : vector<256x4096xf32> to vector<256x128xf32>
    %max3A_75 = arith.maximumf %max3A_71, %slice3A_74 : vector<256x128xf32>
    %min3A_76 = arith.minimumf %max3A_71, %slice3A_74 : vector<256x128xf32>
    %max3A_77 = arith.maximumf %max3A_73, %min3A_76 : vector<256x128xf32>
    %slice3A_78 = vector.extract_strided_slice %mul3A_30 {offsets = [0, 896], sizes = [256, 128], strides = [1, 1]} : vector<256x4096xf32> to vector<256x128xf32>
    %max3A_79 = arith.maximumf %max3A_75, %slice3A_78 : vector<256x128xf32>
    %min3A_80 = arith.minimumf %max3A_75, %slice3A_78 : vector<256x128xf32>
    %max3A_81 = arith.maximumf %max3A_77, %min3A_80 : vector<256x128xf32>
    %slice3A_82 = vector.extract_strided_slice %mul3A_30 {offsets = [0, 1024], sizes = [256, 128], strides = [1, 1]} : vector<256x4096xf32> to vector<256x128xf32>
    %max3A_83 = arith.maximumf %max3A_79, %slice3A_82 : vector<256x128xf32>
    %min3A_84 = arith.minimumf %max3A_79, %slice3A_82 : vector<256x128xf32>
    %max3A_85 = arith.maximumf %max3A_81, %min3A_84 : vector<256x128xf32>
    %slice3A_86 = vector.extract_strided_slice %mul3A_30 {offsets = [0, 1152], sizes = [256, 128], strides = [1, 1]} : vector<256x4096xf32> to vector<256x128xf32>
    %max3A_87 = arith.maximumf %max3A_83, %slice3A_86 : vector<256x128xf32>
    %min3A_88 = arith.minimumf %max3A_83, %slice3A_86 : vector<256x128xf32>
    %max3A_89 = arith.maximumf %max3A_85, %min3A_88 : vector<256x128xf32>
    %slice3A_90 = vector.extract_strided_slice %mul3A_30 {offsets = [0, 1280], sizes = [256, 128], strides = [1, 1]} : vector<256x4096xf32> to vector<256x128xf32>
    %max3A_91 = arith.maximumf %max3A_87, %slice3A_90 : vector<256x128xf32>
    %min3A_92 = arith.minimumf %max3A_87, %slice3A_90 : vector<256x128xf32>
    %max3A_93 = arith.maximumf %max3A_89, %min3A_92 : vector<256x128xf32>
    %slice3A_94 = vector.extract_strided_slice %mul3A_30 {offsets = [0, 1408], sizes = [256, 128], strides = [1, 1]} : vector<256x4096xf32> to vector<256x128xf32>
    %max3A_95 = arith.maximumf %max3A_91, %slice3A_94 : vector<256x128xf32>
    %min3A_96 = arith.minimumf %max3A_91, %slice3A_94 : vector<256x128xf32>
    %max3A_97 = arith.maximumf %max3A_93, %min3A_96 : vector<256x128xf32>
    %slice3A_98 = vector.extract_strided_slice %mul3A_30 {offsets = [0, 1536], sizes = [256, 128], strides = [1, 1]} : vector<256x4096xf32> to vector<256x128xf32>
    %max3A_99 = arith.maximumf %max3A_95, %slice3A_98 : vector<256x128xf32>
    %min3A_100 = arith.minimumf %max3A_95, %slice3A_98 : vector<256x128xf32>
    %max3A_101 = arith.maximumf %max3A_97, %min3A_100 : vector<256x128xf32>
    %slice3A_102 = vector.extract_strided_slice %mul3A_30 {offsets = [0, 1664], sizes = [256, 128], strides = [1, 1]} : vector<256x4096xf32> to vector<256x128xf32>
    %max3A_103 = arith.maximumf %max3A_99, %slice3A_102 : vector<256x128xf32>
    %min3A_104 = arith.minimumf %max3A_99, %slice3A_102 : vector<256x128xf32>
    %max3A_105 = arith.maximumf %max3A_101, %min3A_104 : vector<256x128xf32>
    %slice3A_106 = vector.extract_strided_slice %mul3A_30 {offsets = [0, 1792], sizes = [256, 128], strides = [1, 1]} : vector<256x4096xf32> to vector<256x128xf32>
    %max3A_107 = arith.maximumf %max3A_103, %slice3A_106 : vector<256x128xf32>
    %min3A_108 = arith.minimumf %max3A_103, %slice3A_106 : vector<256x128xf32>
    %max3A_109 = arith.maximumf %max3A_105, %min3A_108 : vector<256x128xf32>
    %slice3A_110 = vector.extract_strided_slice %mul3A_30 {offsets = [0, 1920], sizes = [256, 128], strides = [1, 1]} : vector<256x4096xf32> to vector<256x128xf32>
    %max3A_111 = arith.maximumf %max3A_107, %slice3A_110 : vector<256x128xf32>
    %min3A_112 = arith.minimumf %max3A_107, %slice3A_110 : vector<256x128xf32>
    %max3A_113 = arith.maximumf %max3A_109, %min3A_112 : vector<256x128xf32>
    %slice3A_114 = vector.extract_strided_slice %mul3A_30 {offsets = [0, 2048], sizes = [256, 128], strides = [1, 1]} : vector<256x4096xf32> to vector<256x128xf32>
    %max3A_115 = arith.maximumf %max3A_111, %slice3A_114 : vector<256x128xf32>
    %min3A_116 = arith.minimumf %max3A_111, %slice3A_114 : vector<256x128xf32>
    %max3A_117 = arith.maximumf %max3A_113, %min3A_116 : vector<256x128xf32>
    %slice3A_118 = vector.extract_strided_slice %mul3A_30 {offsets = [0, 2176], sizes = [256, 128], strides = [1, 1]} : vector<256x4096xf32> to vector<256x128xf32>
    %max3A_119 = arith.maximumf %max3A_115, %slice3A_118 : vector<256x128xf32>
    %min3A_120 = arith.minimumf %max3A_115, %slice3A_118 : vector<256x128xf32>
    %max3A_121 = arith.maximumf %max3A_117, %min3A_120 : vector<256x128xf32>
    %slice3A_122 = vector.extract_strided_slice %mul3A_30 {offsets = [0, 2304], sizes = [256, 128], strides = [1, 1]} : vector<256x4096xf32> to vector<256x128xf32>
    %max3A_123 = arith.maximumf %max3A_119, %slice3A_122 : vector<256x128xf32>
    %min3A_124 = arith.minimumf %max3A_119, %slice3A_122 : vector<256x128xf32>
    %max3A_125 = arith.maximumf %max3A_121, %min3A_124 : vector<256x128xf32>
    %slice3A_126 = vector.extract_strided_slice %mul3A_30 {offsets = [0, 2432], sizes = [256, 128], strides = [1, 1]} : vector<256x4096xf32> to vector<256x128xf32>
    %max3A_127 = arith.maximumf %max3A_123, %slice3A_126 : vector<256x128xf32>
    %min3A_128 = arith.minimumf %max3A_123, %slice3A_126 : vector<256x128xf32>
    %max3A_129 = arith.maximumf %max3A_125, %min3A_128 : vector<256x128xf32>
    %slice3A_130 = vector.extract_strided_slice %mul3A_30 {offsets = [0, 2560], sizes = [256, 128], strides = [1, 1]} : vector<256x4096xf32> to vector<256x128xf32>
    %max3A_131 = arith.maximumf %max3A_127, %slice3A_130 : vector<256x128xf32>
    %min3A_132 = arith.minimumf %max3A_127, %slice3A_130 : vector<256x128xf32>
    %max3A_133 = arith.maximumf %max3A_129, %min3A_132 : vector<256x128xf32>
    %slice3A_134 = vector.extract_strided_slice %mul3A_30 {offsets = [0, 2688], sizes = [256, 128], strides = [1, 1]} : vector<256x4096xf32> to vector<256x128xf32>
    %max3A_135 = arith.maximumf %max3A_131, %slice3A_134 : vector<256x128xf32>
    %min3A_136 = arith.minimumf %max3A_131, %slice3A_134 : vector<256x128xf32>
    %max3A_137 = arith.maximumf %max3A_133, %min3A_136 : vector<256x128xf32>
    %slice3A_138 = vector.extract_strided_slice %mul3A_30 {offsets = [0, 2816], sizes = [256, 128], strides = [1, 1]} : vector<256x4096xf32> to vector<256x128xf32>
    %max3A_139 = arith.maximumf %max3A_135, %slice3A_138 : vector<256x128xf32>
    %min3A_140 = arith.minimumf %max3A_135, %slice3A_138 : vector<256x128xf32>
    %max3A_141 = arith.maximumf %max3A_137, %min3A_140 : vector<256x128xf32>
    %slice3A_142 = vector.extract_strided_slice %mul3A_30 {offsets = [0, 2944], sizes = [256, 128], strides = [1, 1]} : vector<256x4096xf32> to vector<256x128xf32>
    %max3A_143 = arith.maximumf %max3A_139, %slice3A_142 : vector<256x128xf32>
    %min3A_144 = arith.minimumf %max3A_139, %slice3A_142 : vector<256x128xf32>
    %max3A_145 = arith.maximumf %max3A_141, %min3A_144 : vector<256x128xf32>
    %slice3A_146 = vector.extract_strided_slice %mul3A_30 {offsets = [0, 3072], sizes = [256, 128], strides = [1, 1]} : vector<256x4096xf32> to vector<256x128xf32>
    %max3A_147 = arith.maximumf %max3A_143, %slice3A_146 : vector<256x128xf32>
    %min3A_148 = arith.minimumf %max3A_143, %slice3A_146 : vector<256x128xf32>
    %max3A_149 = arith.maximumf %max3A_145, %min3A_148 : vector<256x128xf32>
    %slice3A_150 = vector.extract_strided_slice %mul3A_30 {offsets = [0, 3200], sizes = [256, 128], strides = [1, 1]} : vector<256x4096xf32> to vector<256x128xf32>
    %max3A_151 = arith.maximumf %max3A_147, %slice3A_150 : vector<256x128xf32>
    %min3A_152 = arith.minimumf %max3A_147, %slice3A_150 : vector<256x128xf32>
    %max3A_153 = arith.maximumf %max3A_149, %min3A_152 : vector<256x128xf32>
    %slice3A_154 = vector.extract_strided_slice %mul3A_30 {offsets = [0, 3328], sizes = [256, 128], strides = [1, 1]} : vector<256x4096xf32> to vector<256x128xf32>
    %max3A_155 = arith.maximumf %max3A_151, %slice3A_154 : vector<256x128xf32>
    %min3A_156 = arith.minimumf %max3A_151, %slice3A_154 : vector<256x128xf32>
    %max3A_157 = arith.maximumf %max3A_153, %min3A_156 : vector<256x128xf32>
    %slice3A_158 = vector.extract_strided_slice %mul3A_30 {offsets = [0, 3456], sizes = [256, 128], strides = [1, 1]} : vector<256x4096xf32> to vector<256x128xf32>
    %max3A_159 = arith.maximumf %max3A_155, %slice3A_158 : vector<256x128xf32>
    %min3A_160 = arith.minimumf %max3A_155, %slice3A_158 : vector<256x128xf32>
    %max3A_161 = arith.maximumf %max3A_157, %min3A_160 : vector<256x128xf32>
    %slice3A_162 = vector.extract_strided_slice %mul3A_30 {offsets = [0, 3584], sizes = [256, 128], strides = [1, 1]} : vector<256x4096xf32> to vector<256x128xf32>
    %max3A_163 = arith.maximumf %max3A_159, %slice3A_162 : vector<256x128xf32>
    %min3A_164 = arith.minimumf %max3A_159, %slice3A_162 : vector<256x128xf32>
    %max3A_165 = arith.maximumf %max3A_161, %min3A_164 : vector<256x128xf32>
    %slice3A_166 = vector.extract_strided_slice %mul3A_30 {offsets = [0, 3712], sizes = [256, 128], strides = [1, 1]} : vector<256x4096xf32> to vector<256x128xf32>
    %max3A_167 = arith.maximumf %max3A_163, %slice3A_166 : vector<256x128xf32>
    %min3A_168 = arith.minimumf %max3A_163, %slice3A_166 : vector<256x128xf32>
    %max3A_169 = arith.maximumf %max3A_165, %min3A_168 : vector<256x128xf32>
    %slice3A_170 = vector.extract_strided_slice %mul3A_30 {offsets = [0, 3840], sizes = [256, 128], strides = [1, 1]} : vector<256x4096xf32> to vector<256x128xf32>
    %max3A_171 = arith.maximumf %max3A_167, %slice3A_170 : vector<256x128xf32>
    %min3A_172 = arith.minimumf %max3A_167, %slice3A_170 : vector<256x128xf32>
    %max3A_173 = arith.maximumf %max3A_169, %min3A_172 : vector<256x128xf32>
    %slice3A_174 = vector.extract_strided_slice %mul3A_30 {offsets = [0, 3968], sizes = [256, 128], strides = [1, 1]} : vector<256x4096xf32> to vector<256x128xf32>
    %max3A_175 = arith.maximumf %max3A_171, %slice3A_174 : vector<256x128xf32>
    %min3A_176 = arith.minimumf %max3A_171, %slice3A_174 : vector<256x128xf32>
    %max3A_177 = arith.maximumf %max3A_173, %min3A_176 : vector<256x128xf32>
    %max3A_178 = arith.maximumf %max3A_175, %max3A_177 : vector<256x128xf32>
    %reduce_max3A = arith.constant dense<0xFF800000> : vector<256xf32>
    %reduce_max3A_179 = vector.multi_reduction <maximumf>, %max3A_178, %reduce_max3A [1] : vector<256x128xf32> to vector<256xf32>
    %broadcast_in_dim3A_180 = vector.shape_cast %reduce_max3A_179 : vector<256xf32> to vector<256x1xf32>
    %eq3A_181 = vector.broadcast %broadcast_in_dim3A_180 : vector<256x1xf32> to vector<256x128xf32>
    %eq3A_182 = arith.cmpf oeq, %max3A_175, %eq3A_181 : vector<256x128xf32>
    %jit3A_183 = arith.constant 0xFF800000 : f32
    %broadcast_in_dim3A_184 = vector.broadcast %jit3A_183 : f32 to vector<256x128xf32>
    %select_n3A_185 = arith.select %eq3A_182, %broadcast_in_dim3A_184, %max3A_175 : vector<256x128xi1>, vector<256x128xf32>
    %eq3A_186 = vector.broadcast %broadcast_in_dim3A_180 : vector<256x1xf32> to vector<256x128xf32>
    %eq3A_187 = arith.cmpf oeq, %max3A_177, %eq3A_186 : vector<256x128xf32>
    %jit3A_188 = arith.constant 0xFF800000 : f32
    %broadcast_in_dim3A_189 = vector.broadcast %jit3A_188 : f32 to vector<256x128xf32>
    %select_n3A_190 = arith.select %eq3A_187, %broadcast_in_dim3A_189, %max3A_177 : vector<256x128xi1>, vector<256x128xf32>
    %max3A_191 = arith.maximumf %select_n3A_185, %select_n3A_190 : vector<256x128xf32>
    %reduce_max3A_192 = arith.constant dense<0xFF800000> : vector<256xf32>
    %reduce_max3A_193 = vector.multi_reduction <maximumf>, %max3A_191, %reduce_max3A_192 [1] : vector<256x128xf32> to vector<256xf32>
    %broadcast_in_dim3A_194 = vector.shape_cast %reduce_max3A_193 : vector<256xf32> to vector<256x1xf32>
    %eq3A_195 = vector.broadcast %broadcast_in_dim3A_194 : vector<256x1xf32> to vector<256x128xf32>
    %eq3A_196 = arith.cmpf oeq, %select_n3A_185, %eq3A_195 : vector<256x128xf32>
    %jit3A_197 = arith.constant 0xFF800000 : f32
    %broadcast_in_dim3A_198 = vector.broadcast %jit3A_197 : f32 to vector<256x128xf32>
    %select_n3A_199 = arith.select %eq3A_196, %broadcast_in_dim3A_198, %select_n3A_185 : vector<256x128xi1>, vector<256x128xf32>
    %eq3A_200 = vector.broadcast %broadcast_in_dim3A_194 : vector<256x1xf32> to vector<256x128xf32>
    %eq3A_201 = arith.cmpf oeq, %select_n3A_190, %eq3A_200 : vector<256x128xf32>
    %jit3A_202 = arith.constant 0xFF800000 : f32
    %broadcast_in_dim3A_203 = vector.broadcast %jit3A_202 : f32 to vector<256x128xf32>
    %select_n3A_204 = arith.select %eq3A_201, %broadcast_in_dim3A_203, %select_n3A_190 : vector<256x128xi1>, vector<256x128xf32>
    %max3A_205 = arith.maximumf %select_n3A_199, %select_n3A_204 : vector<256x128xf32>
    %reduce_max3A_206 = arith.constant dense<0xFF800000> : vector<256xf32>
    %reduce_max3A_207 = vector.multi_reduction <maximumf>, %max3A_205, %reduce_max3A_206 [1] : vector<256x128xf32> to vector<256xf32>
    %broadcast_in_dim3A_208 = vector.shape_cast %reduce_max3A_207 : vector<256xf32> to vector<256x1xf32>
    %eq3A_209 = vector.broadcast %broadcast_in_dim3A_208 : vector<256x1xf32> to vector<256x128xf32>
    %eq3A_210 = arith.cmpf oeq, %select_n3A_199, %eq3A_209 : vector<256x128xf32>
    %jit3A_211 = arith.constant 0xFF800000 : f32
    %broadcast_in_dim3A_212 = vector.broadcast %jit3A_211 : f32 to vector<256x128xf32>
    %select_n3A_213 = arith.select %eq3A_210, %broadcast_in_dim3A_212, %select_n3A_199 : vector<256x128xi1>, vector<256x128xf32>
    %eq3A_214 = vector.broadcast %broadcast_in_dim3A_208 : vector<256x1xf32> to vector<256x128xf32>
    %eq3A_215 = arith.cmpf oeq, %select_n3A_204, %eq3A_214 : vector<256x128xf32>
    %jit3A_216 = arith.constant 0xFF800000 : f32
    %broadcast_in_dim3A_217 = vector.broadcast %jit3A_216 : f32 to vector<256x128xf32>
    %select_n3A_218 = arith.select %eq3A_215, %broadcast_in_dim3A_217, %select_n3A_204 : vector<256x128xi1>, vector<256x128xf32>
    %max3A_219 = arith.maximumf %select_n3A_213, %select_n3A_218 : vector<256x128xf32>
    %reduce_max3A_220 = arith.constant dense<0xFF800000> : vector<256xf32>
    %reduce_max3A_221 = vector.multi_reduction <maximumf>, %max3A_219, %reduce_max3A_220 [1] : vector<256x128xf32> to vector<256xf32>
    %broadcast_in_dim3A_222 = vector.shape_cast %reduce_max3A_221 : vector<256xf32> to vector<256x1xf32>
    %eq3A_223 = vector.broadcast %broadcast_in_dim3A_222 : vector<256x1xf32> to vector<256x128xf32>
    %eq3A_224 = arith.cmpf oeq, %select_n3A_213, %eq3A_223 : vector<256x128xf32>
    %jit3A_225 = arith.constant 0xFF800000 : f32
    %broadcast_in_dim3A_226 = vector.broadcast %jit3A_225 : f32 to vector<256x128xf32>
    %select_n3A_227 = arith.select %eq3A_224, %broadcast_in_dim3A_226, %select_n3A_213 : vector<256x128xi1>, vector<256x128xf32>
    %eq3A_228 = vector.broadcast %broadcast_in_dim3A_222 : vector<256x1xf32> to vector<256x128xf32>
    %eq3A_229 = arith.cmpf oeq, %select_n3A_218, %eq3A_228 : vector<256x128xf32>
    %jit3A_230 = arith.constant 0xFF800000 : f32
    %broadcast_in_dim3A_231 = vector.broadcast %jit3A_230 : f32 to vector<256x128xf32>
    %select_n3A_232 = arith.select %eq3A_229, %broadcast_in_dim3A_231, %select_n3A_218 : vector<256x128xi1>, vector<256x128xf32>
    %max3A_233 = arith.maximumf %select_n3A_227, %select_n3A_232 : vector<256x128xf32>
    %reduce_max3A_234 = arith.constant dense<0xFF800000> : vector<256xf32>
    %reduce_max3A_235 = vector.multi_reduction <maximumf>, %max3A_233, %reduce_max3A_234 [1] : vector<256x128xf32> to vector<256xf32>
    %broadcast_in_dim3A_236 = vector.shape_cast %reduce_max3A_235 : vector<256xf32> to vector<256x1xf32>
    %ge3A = vector.broadcast %broadcast_in_dim3A_236 : vector<256x1xf32> to vector<256x4096xf32>
    %ge3A_237 = arith.cmpf oge, %mul3A_30, %ge3A : vector<256x4096xf32>
    %jit3A_238 = arith.constant 0.000000e+00 : f32
    %broadcast_in_dim3A_239 = vector.broadcast %jit3A_238 : f32 to vector<256x4096xf32>
    %select_n3A_240 = arith.select %ge3A_237, %exp3A, %broadcast_in_dim3A_239 : vector<256x4096xi1>, vector<256x4096xf32>
    %reduce_sum3A_241 = arith.constant dense<0.000000e+00> : vector<256xf32>
    %reduce_sum3A_242 = vector.multi_reduction <add>, %select_n3A_240, %reduce_sum3A_241 [1] : vector<256x4096xf32> to vector<256xf32>
    %broadcast_in_dim3A_243 = vector.shape_cast %reduce_sum3A_242 : vector<256xf32> to vector<256x1xf32>
    %add3A = arith.addf %broadcast_in_dim3A_47, %broadcast_in_dim3A_243 : vector<256x1xf32>
    %add3A_244 = arith.constant 9.99999993E-9 : f32
    %add3A_245 = vector.broadcast %add3A_244 : f32 to vector<256x1xf32>
    %add3A_246 = arith.addf %add3A, %add3A_245 : vector<256x1xf32>
    %div3A_247 = arith.divf %broadcast_in_dim3A_47, %add3A_246 : vector<256x1xf32>
    %log3A = math.log %div3A_247 : vector<256x1xf32>
    %neg3A = arith.constant 0.000000e+00 : f32
    %neg3A_248 = vector.broadcast %neg3A : f32 to vector<256x1xf32>
    %neg3A_249 = arith.subf %neg3A_248, %log3A : vector<256x1xf32>
    %get3A_250 = arith.constant 0 : index
    %get3A_251 = arith.constant 0 : index
    %get3A_252 = vector.load %arg8[%get3A_250, %get3A_251] : memref<1x1xf32, #tpu.memory_space<vmem>>, vector<1x1xf32>
    %reduce_sum3A_253 = arith.constant dense<0.000000e+00> : vector<1xf32>
    %reduce_sum3A_254 = vector.multi_reduction <add>, %neg3A_249, %reduce_sum3A_253 [0] : vector<256x1xf32> to vector<1xf32>
    %broadcast_in_dim3A_255 = vector.shape_cast %reduce_sum3A_254 : vector<1xf32> to vector<1x1xf32>
    %add3A_256 = arith.addf %get3A_252, %broadcast_in_dim3A_255 : vector<1x1xf32>
    %swap3A = arith.constant 0 : index
    %swap3A_257 = arith.constant 0 : index
    %swap3A_258 = vector.load %arg8[%swap3A, %swap3A_257] : memref<1x1xf32, #tpu.memory_space<vmem>>, vector<1x1xf32>
    tpu.vector_store %arg8[%swap3A, %swap3A_257], %add3A_256 {strides = array<i32>} : memref<1x1xf32, #tpu.memory_space<vmem>>, vector<1x1xf32>,
    %eq3A_259 = arith.constant 15 : i32
    %eq3A_260 = arith.cmpi eq, %arg0, %eq3A_259 : i32
    %convert_element_type3A_261 = arith.extui %eq3A_260 : i1 to i32
    %cond3A_262 = arith.constant 0 : i32
    %cond3A_263 = arith.cmpi ne, %convert_element_type3A_261, %cond3A_262 : i32
    scf.if %cond3A_263 {
      %get3A_264 = arith.constant 0 : index
      %get3A_265 = arith.constant 0 : index
      %get3A_266 = vector.load %arg8[%get3A_264, %get3A_265] : memref<1x1xf32, #tpu.memory_space<vmem>>, vector<1x1xf32>
      %add3A_267 = arith.constant 4.096000e+03 : f32
      %add3A_268 = arith.constant 9.99999993E-9 : f32
      %add3A_269 = arith.addf %add3A_267, %add3A_268 : f32
      %div3A_270 = vector.broadcast %add3A_269 : f32 to vector<1x1xf32>
      %div3A_271 = arith.divf %get3A_266, %div3A_270 : vector<1x1xf32>
      %swap3A_272 = arith.constant 0 : index
      %swap3A_273 = arith.constant 0 : index
      %swap3A_274 = vector.load %arg7[%swap3A_272, %swap3A_273] : memref<1x1xf32, #tpu.memory_space<vmem>>, vector<1x1xf32>
      tpu.vector_store %arg7[%swap3A_272, %swap3A_273], %div3A_271 {strides = array<i32>} : memref<1x1xf32, #tpu.memory_space<vmem>>, vector<1x1xf32>,
    } else {
    }
    return
  }
  func.func @transform_0(%arg0: i32) -> (i32, i32) {
    %c0_i32 = arith.constant 0 : i32
    %c0_i32_0 = arith.constant 0 : i32
    return %arg0, %c0_i32 : i32, i32
  }
  func.func @transform_1(%arg0: i32) -> (i32, i32) {
    %c0_i32 = arith.constant 0 : i32
    %c0_i32_0 = arith.constant 0 : i32
    %c0_i32_1 = arith.constant 0 : i32
    return %c0_i32, %c0_i32_0 : i32, i32
  }
  func.func @transform_2(%arg0: i32) -> (i32, i32) {
    %c0_i32 = arith.constant 0 : i32
    %c0_i32_0 = arith.constant 0 : i32
    %c0_i32_1 = arith.constant 0 : i32
    return %c0_i32, %c0_i32_0 : i32, i32
  }
  func.func @transform_3(%arg0: i32) -> (i32, i32) {
    %c0_i32 = arith.constant 0 : i32
    %c0_i32_0 = arith.constant 0 : i32
    %c0_i32_1 = arith.constant 0 : i32
    return %c0_i32, %c0_i32_0 : i32, i32
  }
  func.func @transform_4(%arg0: i32) -> (i32, i32) {
    %c0_i32 = arith.constant 0 : i32
    %c0_i32_0 = arith.constant 0 : i32
    return %arg0, %c0_i32 : i32, i32
  }
  func.func @transform_5(%arg0: i32) -> (i32, i32) {
    %c0_i32 = arith.constant 0 : i32
    %c0_i32_0 = arith.constant 0 : i32
    %c0_i32_1 = arith.constant 0 : i32
    return %c0_i32, %c0_i32_0 : i32, i32
  }
  func.func @transform_6(%arg0: i32) -> (i32, i32) {
    %c0_i32 = arith.constant 0 : i32
    %c0_i32_0 = arith.constant 0 : i32
    %c0_i32_1 = arith.constant 0 : i32
    return %c0_i32, %c0_i32_0 : i32, i32
  }
}

module attributes {stable_mosaic.version = 14 : i64} {
  func.func @_prep_body(%arg0: i32, %arg1: memref<4096x1024xf32, #tpu.memory_space<vmem>>, %arg2: memref<4096x1xi32, #tpu.memory_space<vmem>>, %arg3: memref<4096x1024xbf16, #tpu.memory_space<vmem>>, %arg4: memref<4096x128xbf16, #tpu.memory_space<vmem>>) attributes {dimension_semantics = [#tpu.dimension_semantics<arbitrary>], iteration_bounds = array<i64: 1>, scalar_prefetch = 0 : i64, scratch_operands = 0 : i64, tpu.core_type = #tpu.core_type<tc>, window_params = [{pipeline_mode = #tpu.pipeline_mode<synchronous>, transform_indices = @transform_0, window_bounds = array<i64: 4096, 1024>}, {pipeline_mode = #tpu.pipeline_mode<synchronous>, transform_indices = @transform_1, window_bounds = array<i64: 4096, 1>}, {pipeline_mode = #tpu.pipeline_mode<synchronous>, transform_indices = @transform_2, window_bounds = array<i64: 4096, 1024>}, {pipeline_mode = #tpu.pipeline_mode<synchronous>, transform_indices = @transform_3, window_bounds = array<i64: 4096, 128>}]} {
    %get3A = arith.constant 0 : index
    %get3A_0 = arith.constant 0 : index
    %get3A_1 = vector.load %arg1[%get3A, %get3A_0] : memref<4096x1024xf32, #tpu.memory_space<vmem>>, vector<4096x1024xf32>
    %mul3A = arith.mulf %get3A_1, %get3A_1 : vector<4096x1024xf32>
    %reduce_sum3A = arith.constant dense<0.000000e+00> : vector<4096xf32>
    %reduce_sum3A_2 = vector.multi_reduction <add>, %mul3A, %reduce_sum3A [1] : vector<4096x1024xf32> to vector<4096xf32>
    %broadcast_in_dim3A = vector.shape_cast %reduce_sum3A_2 : vector<4096xf32> to vector<4096x1xf32>
    %sqrt3A = math.sqrt %broadcast_in_dim3A : vector<4096x1xf32>
    %max3A = arith.constant 9.99999996E-13 : f32
    %max3A_3 = vector.broadcast %max3A : f32 to vector<4096x1xf32>
    %max3A_4 = arith.maximumf %sqrt3A, %max3A_3 : vector<4096x1xf32>
    %div3A = arith.constant 1.000000e+01 : f32
    %div3A_5 = vector.broadcast %div3A : f32 to vector<4096x1xf32>
    %div3A_6 = arith.divf %div3A_5, %max3A_4 : vector<4096x1xf32>
    %mul3A_7 = vector.broadcast %div3A_6 : vector<4096x1xf32> to vector<4096x1024xf32>
    %mul3A_8 = arith.mulf %get3A_1, %mul3A_7 : vector<4096x1024xf32>
    %convert_element_type3A = arith.truncf %mul3A_8 : vector<4096x1024xf32> to vector<4096x1024xbf16>
    %swap3A = arith.constant 0 : index
    %swap3A_9 = arith.constant 0 : index
    %swap3A_10 = vector.load %arg3[%swap3A, %swap3A_9] : memref<4096x1024xbf16, #tpu.memory_space<vmem>>, vector<4096x1024xbf16>
    tpu.vector_store %arg3[%swap3A, %swap3A_9], %convert_element_type3A {strides = array<i32>} : memref<4096x1024xbf16, #tpu.memory_space<vmem>>, vector<4096x1024xbf16>,
    %iota3A = tpu.iota {dimensions = array<i32: 1>} : vector<4096x128xi32>
    %get3A_11 = arith.constant 0 : index
    %get3A_12 = arith.constant 0 : index
    %get3A_13 = vector.load %arg2[%get3A_11, %get3A_12] : memref<4096x1xi32, #tpu.memory_space<vmem>>, vector<4096x1xi32>
    %eq3A = vector.broadcast %get3A_13 : vector<4096x1xi32> to vector<4096x128xi32>
    %eq3A_14 = arith.cmpi eq, %eq3A, %iota3A : vector<4096x128xi32>
    %convert_element_type3A_15 = arith.extui %eq3A_14 : vector<4096x128xi1> to vector<4096x128xi32>
    %convert_element_type3A_16 = arith.sitofp %convert_element_type3A_15 : vector<4096x128xi32> to vector<4096x128xf32>
    %convert_element_type3A_17 = arith.truncf %convert_element_type3A_16 : vector<4096x128xf32> to vector<4096x128xbf16>
    %swap3A_18 = arith.constant 0 : index
    %swap3A_19 = arith.constant 0 : index
    %swap3A_20 = vector.load %arg4[%swap3A_18, %swap3A_19] : memref<4096x128xbf16, #tpu.memory_space<vmem>>, vector<4096x128xbf16>
    tpu.vector_store %arg4[%swap3A_18, %swap3A_19], %convert_element_type3A_17 {strides = array<i32>} : memref<4096x128xbf16, #tpu.memory_space<vmem>>, vector<4096x128xbf16>,
    return
  }
  func.func @transform_0(%arg0: i32) -> (i32, i32) {
    %c0_i32 = arith.constant 0 : i32
    %c0_i32_0 = arith.constant 0 : i32
    %c0_i32_1 = arith.constant 0 : i32
    return %c0_i32, %c0_i32_0 : i32, i32
  }
  func.func @transform_1(%arg0: i32) -> (i32, i32) {
    %c0_i32 = arith.constant 0 : i32
    %c0_i32_0 = arith.constant 0 : i32
    %c0_i32_1 = arith.constant 0 : i32
    return %c0_i32, %c0_i32_0 : i32, i32
  }
  func.func @transform_2(%arg0: i32) -> (i32, i32) {
    %c0_i32 = arith.constant 0 : i32
    %c0_i32_0 = arith.constant 0 : i32
    %c0_i32_1 = arith.constant 0 : i32
    return %c0_i32, %c0_i32_0 : i32, i32
  }
  func.func @transform_3(%arg0: i32) -> (i32, i32) {
    %c0_i32 = arith.constant 0 : i32
    %c0_i32_0 = arith.constant 0 : i32
    %c0_i32_1 = arith.constant 0 : i32
    return %c0_i32, %c0_i32_0 : i32, i32
  }
}

</mosaic_0001>

<sc_bundles>
// kernel: kernel.5.cloned.1.call-start
scs
__scs_entry_jumppad:
0x0: {  	(pc) =	sbr.rel $0x88, $3  }
0x1: {  	(tag) =	ssettag $0x0;
	lr =	simm.s32 $0x1  }
0x2: {  	[smem:$0x3F9E] =	sst lr;
	_ =	strace $0xD0000000  }
0x3: {  	_ = 	snop  }
0x4: {  	_ = 	snop  }
0x5: {  	_ = 	snop  }
0x6: {  	_ = 	snop  }
0x7: {  	_ = 	snop  }
__scs_overlays_trampoline_lowered:
0x8: {  	[smem:$0x3FAD] =	sst s0  }
0x9: {  	[smem:$0x3FAE] =	sst s1  }
0xa: {  	[smem:$0x3FAF] =	sst s2  }
0xb: {  	[smem:$0x3FB0] =	sst s3  }
0xc: {  	[smem:$0x3FB1] =	sst s4  }
0xd: {  	[smem:$0x3FB2] =	sst s5  }
0xe: {  	[smem:$0x3FB3] =	sst s6  }
0xf: {  	[smem:$0x3FB4] =	sst s7  }
0x10: {  	[smem:$0x3FB5] =	sst s8  }
0x11: {  	[smem:$0x3FB6] =	sst s9;
	s0 =	simm.s32 @!p0 $0x0  }
0x12: {  	s1 =	sld [smem:$0x3F9C];
	s0 =	simm.s32 @p0 $0x1  }
0x13: {  	[smem:$0x3FB7] =	sst s0;
	s0 =	simm.s32 @!p1 $0x0  }
0x14: {  	s2 =	sld [smem:$0x3F9B];
	s0 =	simm.s32 @p1 $0x1  }
0x15: {  	[smem:$0x3FB8] =	sst s0;
	s0 =	simm.s32 @!p2 $0x0  }
0x16: {  	s3 =	sld [smem:$0x3FDB];
	s0 =	simm.s32 @p2 $0x1  }
0x17: {  	s4 =	simm.s32 $0x1BF5;
	[smem:$0x3FBA] =	sst s0  }
0x18: {  	s0 =	sld [smem:$0x3F9D];
	_ =	swait.ge [sflag:s4], $0x0  }
0x19: {  	s7 =	sld [smem:$0x3F9E]  }
0x1a: {  	s8 =	sadd.s32 $0xFFFFE003, lr  }
0x1b: {  	s9 =	sadd.s32 $0xFFFFFEF7, lr;
	s5 =	simm.s32 $0xFFFFFFFF;
	p2 =	slt.u32 s8, $0xFFFFF086  }
0x1c: {  	p1 =	slt.u32 s9, $0xF7A;
	s5 =	simm.s32 @!p2 $0x0  }
0x1d: {  	s5 =	simm.s32 @p1 $0x1;
	p0 =	seq.s32 s7, s2  }
0x1e: {  	s7 =	smul.u32 @!p0 $0xF7A, s2;
	p2 =	seq.s32 @!p0 s5, $0x0  }
0x1f: {  	s9 =	smul.u32 $0xF7A, s1;
	s8 =	simm.s32 @!p0 $0x1BF5;
	p2 =	por !p2, p0  }
0x20: {  	[sflag:s8] =	ssyncset.s32 @!p0 $0xFFFFF086;
	s6 =	sadd.s32 @!p0 s3, s7;
	s7 =	simm.s32 @!p0 $0x108  }
0x21: {  	s3 =	sadd.s32 s3, s9;
	s6 =	sadd.s32 @!p0 $0x88, s6;
	s7 =	simm.s32 @p2 $0x1082  }
0x22: {  	[simem:s7], [sflag:s8] =	dma.local @!p0 [hbm:s6], $0xF7A  }
0x23: {  	s9 =	sor.u32 $0xD0000000, s2;
	s6 =	simm.s32 $0x108;
	_ =	swait.ge @!p0 [sflag:s8], $0x0  }
0x24: {  	s3 =	sadd.s32 $0x88, s3;
	s6 =	simm.s32 @!p1 $0x1082;
	[sflag:s4] =	ssyncset.s32 $0xFFFFF086  }
0x25: {  	[simem:s6], [sflag:s4] =	dma.local [hbm:s3], $0xF7A  }
0x26: {  	[smem:$0x3F9E] =	sst s1;
	(tag) =	ssettag s2;
	_ =	strace s9  }
0x27: {  	s1 =	sld [smem:$0x3FAE]  }
0x28: {  	s2 =	sld [smem:$0x3FAF]  }
0x29: {  	s4 =	sld [smem:$0x3FB1]  }
0x2a: {  	p0 =	seq.s32 s5, $0x0;
	s5 =	sld [smem:$0x3FB2]  }
0x2b: {  	s6 =	sld [smem:$0x3FB3]  }
0x2c: {  	s7 =	sld [smem:$0x3FB4]  }
0x2d: {  	s3 =	simm.s32 $0x108;
	s8 =	sld [smem:$0x3FB5]  }
0x2e: {  	s3 =	simm.s32 @!p0 $0x1082;
	s9 =	sld [smem:$0x3FB6]  }
0x2f: {  	lr =	sadd.s32 s0, s3;
	s0 =	sld [smem:$0x3FAD]  }
0x30: {  	s3 =	sld [smem:$0x3FB0]  }
0x31: {  	[smem:$0x3FB9] =	sst s10  }
0x32: {  	s10 =	sld [smem:$0x3FB7];
	_ =	sdelay $0x3  }
0x33: {  	p0 =	seq.s32 s10, $0x1;
	s10 =	sld [smem:$0x3FB9];
	_ =	sdelay $0x3  }
0x34: {  	[smem:$0x3FB9] =	sst s10  }
0x35: {  	s10 =	sld [smem:$0x3FB8];
	_ =	sdelay $0x3  }
0x36: {  	p1 =	seq.s32 s10, $0x1;
	s10 =	sld [smem:$0x3FB9];
	_ =	sdelay $0x3  }
0x37: {  	[smem:$0x3FB9] =	sst s10  }
0x38: {  	s10 =	sld [smem:$0x3FBA]  }
0x39: {  	_ = 	snop;
	(pc) =	sbr.ind lr, $3  }
0x3a: {  	_ = 	snop  }
0x3b: {  	_ = 	snop  }
0x3c: {  	p2 =	seq.s32 s10, $0x1;
	s10 =	sld [smem:$0x3FB9]  }
0x3d: {  	_ =	shalt  }
0x3e: {  	_ =	shalt  }
0x3f: {  	_ =	shalt  }
0x40: {  	_ =	shalt  }
0x41: {  	_ =	shalt  }
0x42: {  	_ =	shalt  }
0x43: {  	_ =	shalt  }
0x44: {  	_ =	shalt  }
0x45: {  	_ =	shalt  }
0x46: {  	_ =	shalt  }
0x47: {  	_ =	shalt  }
0x48: {  	_ =	shalt  }
0x49: {  	_ =	shalt  }
0x4a: {  	_ =	shalt  }
0x4b: {  	_ =	shalt  }
0x4c: {  	_ =	shalt  }
0x4d: {  	_ =	shalt  }
0x4e: {  	_ =	shalt  }
0x4f: {  	_ =	shalt  }
0x50: {  	_ =	shalt  }
0x51: {  	_ =	shalt  }
0x52: {  	_ =	shalt  }
0x53: {  	_ =	shalt  }
0x54: {  	_ =	shalt  }
0x55: {  	_ =	shalt  }
0x56: {  	_ =	shalt  }
0x57: {  	_ =	shalt  }
0x58: {  	_ =	shalt  }
0x59: {  	_ =	shalt  }
0x5a: {  	_ =	shalt  }
0x5b: {  	_ =	shalt  }
0x5c: {  	_ =	shalt  }
0x5d: {  	_ =	shalt  }
0x5e: {  	_ =	shalt  }
0x5f: {  	_ =	shalt  }
0x60: {  	_ =	shalt  }
0x61: {  	_ =	shalt  }
0x62: {  	_ =	shalt  }
0x63: {  	_ =	shalt  }
0x64: {  	_ =	shalt  }
0x65: {  	_ =	shalt  }
0x66: {  	_ =	shalt  }
0x67: {  	_ =	shalt  }
0x68: {  	_ =	shalt  }
0x69: {  	_ =	shalt  }
0x6a: {  	_ =	shalt  }
0x6b: {  	_ =	shalt  }
0x6c: {  	_ =	shalt  }
0x6d: {  	_ =	shalt  }
0x6e: {  	_ =	shalt  }
0x6f: {  	_ =	shalt  }
0x70: {  	_ =	shalt  }
0x71: {  	_ =	shalt  }
0x72: {  	_ =	shalt  }
0x73: {  	_ =	shalt  }
0x74: {  	_ =	shalt  }
0x75: {  	_ =	shalt  }
0x76: {  	_ =	shalt  }
0x77: {  	_ =	shalt  }
0x78: {  	_ =	shalt  }
0x79: {  	_ =	shalt  }
0x7a: {  	_ =	shalt  }
0x7b: {  	_ =	shalt  }
0x7c: {  	_ =	shalt  }
0x7d: {  	_ =	shalt  }
0x7e: {  	_ =	shalt  }
0x7f: {  	_ =	shalt  }
0x80: {  	_ =	shalt  }
0x81: {  	_ =	shalt  }
0x82: {  	_ =	shalt  }
0x83: {  	_ =	shalt  }
0x84: {  	_ =	shalt  }
0x85: {  	_ =	shalt  }
0x86: {  	_ =	shalt  }
0x87: {  	_ =	shalt  }
.Lfunc_end0:
.L_simem_size_0:
called_computation_lowered:
.L_overlay_start_0:
0x88: {  	s2 =	sld [smem:$0x3FD9]  }
0x89: {  	s3 =	sld [smem:$0x3FFE];
	_ =	sdelay $0x1  }
0x8a: {  	s1 =	srdreg.scid  }
0x8b: {  	s0 =	sand.u32 $0x1, s1  }
0x8c: {  	s17 =	sshll.u32 s0, $0xA;
	s2 =	sadd.s32 s3, s2  }
0x8d: {  	s2 =	sadd.s32 s2, s17  }
0x8e: {  	[smem:$0x3FC5] =	sst s2  }
0x8f: {  	_ = 	snop  }
0x90: {  	s2 =	sld [smem:$0x3FC7];
	(tm) =	ssettm $0x1  }
0x91: {  	s18 =	sld [smem:$0x3FFB];
	_ =	sdelay $0x3  }
0x92: {  	_ =	strace s18  }
0x93: {  	s3 =	sld [smem:$0x3FFC];
	_ =	sdelay $0x3  }
0x94: {  	_ =	strace s3  }
0x95: {  	s3 =	sld [smem:$0x3FFD];
	_ =	sdelay $0x3  }
0x96: {  	_ =	strace s3  }
0x97: {  	_ =	strace $0x8FFFFFFF  }
0x98: {  	s19 =	sld [smem:$0x3FDB];
	_ =	sdelay $0x1  }
0x99: {  	s4 =	simm.s32 $_scs_section_size  }
0x9a: {  	s5 =	simm.s32 $_size__tile_overlayer_lowered;
	s6 =	simm.s32 $_tile_overlayer_lowered  }
0x9b: {  	s22 =	simm.s32 $0x1BFF;
	s21 =	sshll.u32 s6, $0x1;
	s3 =	sadd.s32 s4, s19  }
0x9c: {  	s7 =	simm.s32 $0x0;
	s20 =	sshll.u32 s5, $0x1;
	s5 =	sadd.s32 s21, s3  }
0x9d: {  	[timem:s7], [sflag:s22] =	dma.local [hbm:s5], s20  }
0x9e: {  	_ =	swait.ge [sflag:s22], s20  }
0x9f: {  	s4 =	ssub.s32 $0x0, s20;
	[sflag:s22] =	ssyncset.done $0x0  }
0xa0: {  	[sflag:s22] =	ssyncadd.s32 s4;
	_ =	sdelay $0x1  }
0xa1: {  	s23 =	simm.s32 $0x1B8B  }
0xa2: {  	_ =	swait.ge [sflag:s23], $0x1  }
0xa3: {  	[sflag:s23] =	ssyncset.done $0x0  }
0xa4: {  	s25 =	simm.s32 $0x1B8E;
	s24 =	sld [smem:$0x3FFE];
	[sflag:s23] =	ssyncadd.s32 $0xFFFFFFFF  }
0xa5: {  	s26 =	simm.s32 $execute0_lowered;
	[smem:$0x3FD2] =	sst s25  }
0xa6: {  	s5 =	sshll.u32 s26, $0x1;
	_ =	strace $0x80000046;
	[dreg:$0x1] =	wrdreg $0xFFFFFFFF  }
0xa7: {  	s28 =	simm.s32 $_size_execute0_lowered;
	s3 =	sadd.s32 s3, s5;
	[dreg:$0x0] =	wrdreg $0x0  }
0xa8: {  	s5 =	sshll.u32 s28, $0x1;
	[dreg:$0x2] =	wrdreg s3  }
0xa9: {  	[dreg:$0x3] =	wrdreg s5  }
0xaa: {  	[dreg:$0x4] =	wrdreg $0xC0  }
0xab: {  	_ =	task [dreg:s7], $0x5FFFF  }
0xac: {  	[dreg:$0x1] =	wrdreg $0xFFFFFFFF  }
0xad: {  	[dreg:$0x0] =	wrdreg $0x60  }
0xae: {  	[dreg:$0x2] =	wrdreg s2  }
0xaf: {  	[dreg:$0x3] =	wrdreg s24  }
0xb0: {  	[dreg:$0x4] =	wrdreg $0x9  }
0xb1: {  	_ =	task.clear_ibuf [dreg:s7], $0x5FFFF;
	_ =	strace $0x90000046  }
0xb2: {  	s29 =	simm.s32 $0x9;
	_ =	strace $0x80000048  }
0xb3: {  	_ =	swait.ge [sflag:s29], $0x1  }
0xb4: {  	[sflag:s29] =	ssyncadd.s32 $0xFFFFFFFF  }
0xb5: {  	_ =	strace $0x90000048  }
0xb6: {  	_ =	sfence  }
0xb7: {  	s30 =	sld [smem:$0x0];
	_ =	sdelay $0x2  }
0xb8: {  	s31 =	sshll.u32 s1, $0xD;
	s1 =	sshrl.u32 s1, $0x2  }
0xb9: {  	s3 =	sand.u32 $0x4000, s31;
	s1 =	sadd.s32 s1, s30  }
0xba: {  	s0 =	sor.u32 s3, s0;
	s1 =	sshll.u32 s1, $0x11  }
0xbb: {  	s0 =	sor.u32 s1, s0  }
0xbc: {  	s0 =	sadd.s32 $0x8F2B, s0  }
0xbd: {  	[sflag:s0] =	ssyncadd.remote.s32 $0x1  }
0xbe: {  	_ =	sfence.sel $0xFFFF  }
0xbf: {  	[dreg:$0x0] =	wrdreg $0xFFFFFFFF;
	(pc) =	sbr.abs _section_cstart, $3  }
0xc0: {  	[dreg:$0x1] =	wrdreg $0xFFFFFFFF  }
0xc1: {  	_ =	task.clear_ibuf [dreg:s7], $0x2FFFF;
	_ =	strace $0x9FFFFFFF  }
0xc2: {  	(tm) =	ssettm $0x7FFFFFFF  }
0xc3: {  	_ =	shalt  }
tec
execute0_lowered:
.L_overlay_start_1:
0x0: {  	(tag) =	ssettag $0x1  }
0x1: {  	s2 =	rddreg [dreg:$0x0]  }
0x2: {  	s4 =	rddreg [dreg:$0x1]  }
0x3: {  	s0 =	rddreg [dreg:$0x2]  }
0x4: {  	s5 =	srdreg.scid;
	s1 =	stileid.u32  }
0x5: {  	s3 =	simm.s32 $0x0;
	s5 =	sand.u32 $0x1, s5;
	s6 =	sshll.u32 s1, $0x1  }
0x6: {  	[smem:$0x7FF] =	sst s3;
	s6 =	sor.u32 s5, s6  }
0x7: {  	_ =	strace $0x80000047;
	s5 =	ssub.s32 $0x2, s5;
	s7 =	sshll.u32 s6, $0x3  }
0x8: {  	s30 =	sshrl.u32 s5, $0x1;
	s8 =	sshll.u32 s6, $0x2;
	s6 =	sshllo.u32 s6, $0x2  }
0x9: {  	s4 =	sadd.s32 s7, s4;
	s5 =	ssub.s32 s5, s30;
	s31 =	sor.u32 $0x1, s8  }
0xa: {  	v4 =	vimm.s32 $0x0;
	s9 =	sor.u32 $0x2, s8;
	v3 =	vmov s6;
	s6 =	simm.s32 $0x1;
	s7 =	simm.s32 $0x1000  }
0xb: {  	v0 =	vmov s8;
	s8 =	simm.s32 $0x0;
	v1 =	vmov s31;
	s4 =	sadd.s32 $0x800, s4;
	s5 =	smax.u32 s5, $0x1;
	v2 =	vmov s9  }
.LBB2_1:
0xc: {  	[tilespmem:s3], [sflag:$0x1] =	stream.linear.gather [hbm4b:s2+s3], $0x1000, $0x38;
	[tilespmem:$0x1080] =	vst v63  }
0xd: {  	_ =	swait.ge [sflag:s6], $0x1000  }
0xe: {  	[sflag:s6] =	ssyncset.done $0x0  }
0xf: {  	s10 =	simm.s32 $0x0;
	v5 =	vimm.s32 $0x0;
	[sflag:s6] =	ssyncadd.s32 $0xFFFFF000  }
0x10: {  	s9 =	simm.s32 $0x40;
	v8 =	vimm.s32 $0x0;
	v7 =	vimm.s32 $0x0;
	v6 =	vimm.s32 $0x0;
	v9 =	vld [tilespmem:s10+$0x0]  }
.LBB2_2:
0x11: {  	_ =	sdelay $0x1  }
0x12: {  	p0 =	sne.s32 s9, $0x3FC0  }
.Ltmp0:
0x13: {  	_ = 	snop;
	(pc) =	sbr.rel @p0 .LBB2_2-.Ltmp0, $4  }
0x14: {  	vm0 =	veq.s32 v9, v0;
	vm1 =	veq.s32 v9, v1;
	vm2 =	veq.s32 v9, v3  }
0x15: {  	vm15 =	veq.s32 v9, v2;
	v10 =	vsel vm0, $0x1, v4;
	v11 =	vsel vm2, $0x1, v4  }
0x16: {  	s10 =	sshra.s32 s9, $0x2;
	v12 =	vsel vm1, $0x1, v4;
	v13 =	vsel vm15, $0x1, v4;
	v5 =	vadd.s32 v11, v5  }
0x17: {  	s9 =	sadd.s32 $0x40, s9;
	v9 =	vld [tilespmem:s10+$0x0];
	v8 =	vadd.s32 v10, v8;
	v7 =	vadd.s32 v12, v7;
	v6 =	vadd.s32 v13, v6  }
0x18: {  	_ =	sdelay $0x3  }
0x19: {  	vm0 =	veq.s32 v9, v0  }
0x1a: {  	vm1 =	veq.s32 v9, v1;
	vm2 =	veq.s32 v9, v3;
	v10 =	vsel vm0, $0x1, v4  }
0x1b: {  	vm15 =	veq.s32 v9, v2;
	v61 =	vsel vm1, $0x1, v4;
	v8 =	vadd.s32 v10, v8  }
0x1c: {  	v62 =	vsel vm15, $0x1, v4;
	v7 =	vadd.s32 v61, v7;
	v8 =	vcvt.s32.f32 v8  }
0x1d: {  	v63 =	vsel vm2, $0x1, v4;
	v6 =	vadd.s32 v62, v6;
	v7 =	vcvt.s32.f32 v7  }
0x1e: {  	v5 =	vadd.s32 v63, v5;
	v6 =	vcvt.s32.f32 v6;
	[tilespmem:$0x1000] =	vst v8  }
0x1f: {  	s8 =	sadd.s32 $0x1, s8;
	v5 =	vcvt.s32.f32 v5;
	[tilespmem:$0x1010] =	vst v7  }
0x20: {  	p0 =	sne.s32 s8, s5;
	[tilespmem:$0x1020] =	vst v6  }
.Ltmp1:
0x21: {  	[tilespmem:$0x1030] =	vst v5;
	(pc) =	sbr.rel @p0 .LBB2_1-.Ltmp1, $4  }
0x22: {  	[hbm4b:s4+s3] =	stream.linear.scatter [tilespmem:s7], [sflag:$0x1], $0x40, $0x38;
	[tilespmem:$0x1080] =	vst v63  }
0x23: {  	_ =	swait.ge [sflag:s6], $0x40  }
0x24: {  	[sflag:s6] =	ssyncset.done $0x0  }
0x25: {  	[sflag:s6] =	ssyncadd.s32 $0xFFFFFFC0  }
0x26: {  	_ =	sfence.sel $0x180000  }
0x27: {  	[bflag:$0x0] =	sbarrier.arrive $0xFFFF  }
0x28: {  	p0 =	sne.s32 s1, $0x0;
	_ =	strace $0x90000047  }
0x29: {  	s0 =	sadd.s32 @!p0 $0x100000, s0;
	[bflag:$0x2] =	sbarrier.arrive $0xFFFF  }
0x2a: {  	[sflag:s0] =	ssyncadd.tile.s32 @!p0 $0x1;
	_ =	shalt  }
.Lfunc_end2:
_tile_overlayer_lowered:
.L_overlay_start_2:
0x2b: {  	(tag) =	ssettag $0x2  }
0x2c: {  	s0 =	rddreg [dreg:$0x0];
	s2 =	stileid.u32  }
0x2d: {  	s1 =	rddreg [dreg:$0x1];
	p0 =	sne.s32 s2, $0x0  }
0x2e: {  	s3 =	rddreg [dreg:$0x2];
	[bflag:$0x3] =	sbarrier.arrive $0xFFFF;
	s2 =	simm.s32 @!p0 $0x1C01  }
0x2f: {  	[timem:s3], [sflag:s2] =	dma.local @!p0 [hbm:s0], s1  }
0x30: {  	s0 =	simm.s32 @!p0 $0x1  }
0x31: {  	_ =	swait.ge @!p0 [sflag:s0], s1  }
0x32: {  	s1 =	ssub.s32 @!p0 $0x0, s1;
	[sflag:s0] =	ssyncset.done @!p0 $0x0  }
0x33: {  	[sflag:s0] =	ssyncadd.s32 @!p0 s1  }
0x34: {  	[bflag:$0x3] =	sbarrier.arrive $0xFFFF  }
0x35: {  	_ =	shalt  }

</sc_bundles>
